<compile_context>
chip_gen: v7x
topology: tpu7x:2x2x1
jax: 0.10.2.dev20260603
libtpu: 0.0.44.dev20260713+nightly
codegen_flags: <defaults>
</compile_context>

<pallas_src>
import jax
import jax.numpy as jnp
from jax.experimental import pallas as pl

_NUM_ROIS = 300
_IOU_THR = 0.5
_SCORE_THR = 0.5
_PRE_NMS = 4000
_K = 3
_LEVELS = [(64, 64, 8), (32, 32, 16), (16, 16, 32), (8, 8, 64)]
_N_REAL = sum(h * w * _K for (h, w, _) in _LEVELS)
_NPAD = 16384
_PNP = 4096


def _decode_body(t_ref, a_ref, box_ref, sc_ref):
    t0 = t_ref[0:1, :]
    t1 = t_ref[1:2, :]
    d0 = t_ref[2:3, :]
    d1 = t_ref[3:4, :]
    d2 = t_ref[4:5, :]
    d3 = t_ref[5:6, :]
    ay1 = a_ref[0:1, :]
    ax1 = a_ref[1:2, :]
    ay2 = a_ref[2:3, :]
    ax2 = a_ref[3:4, :]

    score = 1.0 / (1.0 + jnp.exp(t0 - t1))
    col = jax.lax.broadcasted_iota(jnp.int32, (1, _NPAD), 1)
    score = jnp.where(col < _N_REAL, score, -1.0)

    acy = 0.5 * (ay1 + ay2)
    acx = 0.5 * (ax1 + ax2)
    ah = ay2 - ay1
    aw = ax2 - ax1
    cy = acy + d0 * ah
    cx = acx + d1 * aw
    bh = ah * jnp.exp(jnp.clip(d2, -4.0, 4.0))
    bw = aw * jnp.exp(jnp.clip(d3, -4.0, 4.0))
    y1 = jnp.clip(cy - 0.5 * bh, 0.0, 512.0)
    x1 = jnp.clip(cx - 0.5 * bw, 0.0, 512.0)
    y2 = jnp.clip(cy + 0.5 * bh, 0.0, 512.0)
    x2 = jnp.clip(cx + 0.5 * bw, 0.0, 512.0)

    box_ref[0:1, :] = y1
    box_ref[1:2, :] = x1
    box_ref[2:3, :] = y2
    box_ref[3:4, :] = x2
    sc_ref[:, :] = score


_R = 8
_C = _PNP // _R


def _nms_body(b_ref, s_ref, out_ref):
    y1 = b_ref[0:_R, :]
    x1 = b_ref[_R:2 * _R, :]
    y2 = b_ref[2 * _R:3 * _R, :]
    x2 = b_ref[3 * _R:4 * _R, :]
    area = jnp.maximum(y2 - y1, 0.0) * jnp.maximum(x2 - x1, 0.0)
    idx = (jax.lax.broadcasted_iota(jnp.int32, (_R, _C), 0) * _C
           + jax.lax.broadcasted_iota(jnp.int32, (_R, _C), 1)).astype(jnp.float32)
    cand0 = jnp.where(s_ref[:, :] >= _SCORE_THR, idx, float(_PNP))
    out_ref[:, :] = jnp.zeros((_NUM_ROIS, 4), jnp.float32)
    lane4 = jax.lax.broadcasted_iota(jnp.int32, (1, 4), 1)

    def cond(carry):
        cand, cnt = carry
        return cnt < _NUM_ROIS

    def body(carry):
        cand, cnt = carry
        j = jnp.min(cand)
        eq = jnp.where(idx == j, 1.0, 0.0)

        yj = jnp.sum(eq * y1)
        xj = jnp.sum(eq * x1)
        y2j = jnp.sum(eq * y2)
        x2j = jnp.sum(eq * x2)
        aj = jnp.maximum(y2j - yj, 0.0) * jnp.maximum(x2j - xj, 0.0)

        ih = jnp.maximum(jnp.minimum(y2j, y2) - jnp.maximum(yj, y1), 0.0)
        iw = jnp.maximum(jnp.minimum(x2j, x2) - jnp.maximum(xj, x1), 0.0)
        inter = ih * iw
        cand = jnp.where(3.0 * inter > aj + area, float(_PNP), cand)
        cand = jnp.where(idx == j, float(_PNP), cand)

        row = (jnp.where(lane4 == 0, yj, 0.0) + jnp.where(lane4 == 1, xj, 0.0)
               + jnp.where(lane4 == 2, y2j, 0.0) + jnp.where(lane4 == 3, x2j, 0.0))
        out_ref[pl.ds(cnt, 1), :] = row

        cnt = jnp.where(j < float(_PNP), cnt + 1, _NUM_ROIS)
        return cand, cnt

    jax.lax.while_loop(cond, body, (cand0, jnp.int32(0)))


@jax.jit
def kernel(x1, x2, x3, x4, a1, a2, a3, a4):
    ts, ancs = [], []
    for x, a, (h, w, _) in zip((x1, x2, x3, x4), (a1, a2, a3, a4), _LEVELS):
        ts.append(x[0].reshape(h * w * _K, 6))
        ancs.append(a.reshape(h * w * _K, 4))
    t = jnp.concatenate(ts, axis=0)
    anc = jnp.concatenate(ancs, axis=0)
    tT = jnp.pad(t.T, ((0, 0), (0, _NPAD - _N_REAL)))
    ancT = jnp.pad(anc.T, ((0, 0), (0, _NPAD - _N_REAL)))

    boxesT, score = pl.pallas_call(
        _decode_body,
        out_shape=(
            jax.ShapeDtypeStruct((4, _NPAD), jnp.float32),
            jax.ShapeDtypeStruct((1, _NPAD), jnp.float32),
        ),
    )(tT, ancT)

    top_s, top_i = jax.lax.top_k(score[0], _PRE_NMS)
    bsT = jnp.pad(boxesT[:, top_i], ((0, 0), (0, _PNP - _PRE_NMS)))
    tsp = jnp.pad(top_s[None, :], ((0, 0), (0, _PNP - _PRE_NMS)),
                  constant_values=-1.0)

    out = pl.pallas_call(
        _nms_body,
        out_shape=jax.ShapeDtypeStruct((_NUM_ROIS, 4), jnp.float32),
    )(bsT.reshape(4 * _R, _C), tsp.reshape(_R, _C))

    return jnp.expand_dims(out, axis=0)

# --- scband reference (transcript-rebuilt; emitter-appended) ---
"""Pipeline reference for scband-pyramid-nsmlayer-77627238908017 (READ-ONLY COPY).

The authoritative reference and input builder live on the scoring server;
editing this copy changes nothing except your own understanding.
"""

import jax, jax.numpy as jnp
import numpy as np

ISHAPE = (512, 512, 3)
NUM_ROIS = 300
IOU_THR = 0.5
SCORE_THR = 0.5
PRE_NMS = 4000
K = 3
LEVELS = [(64, 64, 8), (32, 32, 16), (16, 16, 32), (8, 8, 64)]


def make_anchors():
    scales = [2.0 ** (i / 3.0) for i in range(K)]
    out = []
    for (h, w, stride) in LEVELS:
        cy = (np.arange(h, dtype=np.float32) + 0.5) * stride
        cx = (np.arange(w, dtype=np.float32) + 0.5) * stride
        cyg, cxg = np.meshgrid(cy, cx, indexing='ij')
        a = np.zeros((h, w, K, 4), dtype=np.float32)
        for ki, s in enumerate(scales):
            half = 0.5 * 4.0 * stride * s
            a[:, :, ki, 0] = cyg - half
            a[:, :, ki, 1] = cxg - half
            a[:, :, ki, 2] = cyg + half
            a[:, :, ki, 3] = cxg + half
        out.append(jnp.asarray(a))
    return out


def setup_inputs(seed: int = 0):
    key = jax.random.key(seed)
    ks = jax.random.split(key, 4)
    inp = {}
    for i, (h, w, _) in enumerate(LEVELS):
        inp['x%d' % (i + 1)] = jax.random.normal(ks[i], (1, h, w, 6 * K), dtype=jnp.float32)
    anc = make_anchors()
    for i in range(4):
        inp['a%d' % (i + 1)] = anc[i]
    return inp


def _pairwise_iou(b):
    y1, x1, y2, x2 = b[:, 0], b[:, 1], b[:, 2], b[:, 3]
    area = jnp.maximum(y2 - y1, 0.0) * jnp.maximum(x2 - x1, 0.0)
    iy1 = jnp.maximum(y1[:, None], y1[None, :])
    ix1 = jnp.maximum(x1[:, None], x1[None, :])
    iy2 = jnp.minimum(y2[:, None], y2[None, :])
    ix2 = jnp.minimum(x2[:, None], x2[None, :])
    ih = jnp.maximum(iy2 - iy1, 0.0)
    iw = jnp.maximum(ix2 - ix1, 0.0)
    inter = ih * iw
    union = area[:, None] + area[None, :] - inter
    return inter / jnp.maximum(union, 1e-8)


def _decode_level(x, a):
    t = x[0]
    h, w = t.shape[0], t.shape[1]
    t = t.reshape(h * w * K, 6)
    score = jax.nn.softmax(t[:, :2], axis=-1)[:, 1]
    d = t[:, 2:]
    anc = a.reshape(h * w * K, 4)
    acy = 0.5 * (anc[:, 0] + anc[:, 2])
    acx = 0.5 * (anc[:, 1] + anc[:, 3])
    ah = anc[:, 2] - anc[:, 0]
    aw = anc[:, 3] - anc[:, 1]
    cy = acy + d[:, 0] * ah
    cx = acx + d[:, 1] * aw
    bh = ah * jnp.exp(jnp.clip(d[:, 2], -4.0, 4.0))
    bw = aw * jnp.exp(jnp.clip(d[:, 3], -4.0, 4.0))
    y1 = jnp.clip(cy - 0.5 * bh, 0.0, ISHAPE[0])
    x1c = jnp.clip(cx - 0.5 * bw, 0.0, ISHAPE[1])
    y2 = jnp.clip(cy + 0.5 * bh, 0.0, ISHAPE[0])
    x2c = jnp.clip(cx + 0.5 * bw, 0.0, ISHAPE[1])
    boxes = jnp.stack([y1, x1c, y2, x2c], axis=1)
    return boxes, score


def _pnsm(xs, ancs):
    bs, ss = [], []
    for x, a in zip(xs, ancs):
        b, s = _decode_level(x, a)
        bs.append(b)
        ss.append(s)
    boxes = jnp.concatenate(bs, axis=0)
    scores = jnp.concatenate(ss, axis=0)
    top_s, top_i = jax.lax.top_k(scores, PRE_NMS)
    b = boxes[top_i]
    b_sg = jax.lax.stop_gradient(b)
    keep = jax.lax.stop_gradient(top_s) >= SCORE_THR
    iou = _pairwise_iou(b_sg)
    idxs = jnp.arange(PRE_NMS)

    def body(i, keep):
        sup = (iou[i] > IOU_THR) & (idxs > i)
        return jnp.where(keep[i], keep & (~sup), keep)

    keep = jax.lax.fori_loop(0, PRE_NMS, body, keep)
    rank = jnp.cumsum(keep.astype(jnp.int32)) - 1
    valid = keep & (rank < NUM_ROIS)
    sidx = jnp.where(valid, rank, NUM_ROIS)
    out = jnp.zeros((NUM_ROIS, 4), dtype=jnp.float32).at[sidx].set(jnp.where(valid[:, None], b, 0.0), mode='drop')
    return out


def reference(x1, x2, x3, x4, a1, a2, a3, a4):
    roi = _pnsm((x1, x2, x3, x4), (a1, a2, a3, a4))
    return jnp.expand_dims(roi, axis=0)

if __name__ == "__main__":
    import jax
    _d = setup_inputs()
    print(jax.jit(kernel)(*tuple(_d.values())))

</pallas_src>

<mosaic_0001>
module attributes {stable_mosaic.version = 14 : i64} {
  func.func @_decode_body(%arg0: memref<6x16384xf32, #tpu.memory_space<vmem>>, %arg1: memref<4x16384xf32, #tpu.memory_space<vmem>>, %arg2: memref<4x16384xf32, #tpu.memory_space<vmem>>, %arg3: memref<1x16384xf32, #tpu.memory_space<vmem>>) attributes {dimension_semantics = [], scalar_prefetch = 0 : i64, scratch_operands = 0 : i64, tpu.core_type = #tpu.core_type<tc>} {
    %get3A = arith.constant 0 : index
    %get3A_0 = arith.constant 0 : index
    %get3A_1 = vector.load %arg0[%get3A, %get3A_0] : memref<6x16384xf32, #tpu.memory_space<vmem>>, vector<1x16384xf32>
    %get3A_2 = arith.constant 1 : index
    %get3A_3 = arith.constant 0 : index
    %get3A_4 = vector.load %arg0[%get3A_2, %get3A_3] : memref<6x16384xf32, #tpu.memory_space<vmem>>, vector<1x16384xf32>
    %get3A_5 = arith.constant 2 : index
    %get3A_6 = arith.constant 0 : index
    %get3A_7 = vector.load %arg0[%get3A_5, %get3A_6] : memref<6x16384xf32, #tpu.memory_space<vmem>>, vector<1x16384xf32>
    %get3A_8 = arith.constant 3 : index
    %get3A_9 = arith.constant 0 : index
    %get3A_10 = vector.load %arg0[%get3A_8, %get3A_9] : memref<6x16384xf32, #tpu.memory_space<vmem>>, vector<1x16384xf32>
    %get3A_11 = arith.constant 4 : index
    %get3A_12 = arith.constant 0 : index
    %get3A_13 = vector.load %arg0[%get3A_11, %get3A_12] : memref<6x16384xf32, #tpu.memory_space<vmem>>, vector<1x16384xf32>
    %get3A_14 = arith.constant 5 : index
    %get3A_15 = arith.constant 0 : index
    %get3A_16 = vector.load %arg0[%get3A_14, %get3A_15] : memref<6x16384xf32, #tpu.memory_space<vmem>>, vector<1x16384xf32>
    %get3A_17 = arith.constant 0 : index
    %get3A_18 = arith.constant 0 : index
    %get3A_19 = vector.load %arg1[%get3A_17, %get3A_18] : memref<4x16384xf32, #tpu.memory_space<vmem>>, vector<1x16384xf32>
    %get3A_20 = arith.constant 1 : index
    %get3A_21 = arith.constant 0 : index
    %get3A_22 = vector.load %arg1[%get3A_20, %get3A_21] : memref<4x16384xf32, #tpu.memory_space<vmem>>, vector<1x16384xf32>
    %get3A_23 = arith.constant 2 : index
    %get3A_24 = arith.constant 0 : index
    %get3A_25 = vector.load %arg1[%get3A_23, %get3A_24] : memref<4x16384xf32, #tpu.memory_space<vmem>>, vector<1x16384xf32>
    %get3A_26 = arith.constant 3 : index
    %get3A_27 = arith.constant 0 : index
    %get3A_28 = vector.load %arg1[%get3A_26, %get3A_27] : memref<4x16384xf32, #tpu.memory_space<vmem>>, vector<1x16384xf32>
    %sub3A = arith.subf %get3A_1, %get3A_4 : vector<1x16384xf32>
    %exp3A = math.exp %sub3A : vector<1x16384xf32>
    %add3A = arith.constant 1.000000e+00 : f32
    %add3A_29 = vector.broadcast %add3A : f32 to vector<1x16384xf32>
    %add3A_30 = arith.addf %add3A_29, %exp3A : vector<1x16384xf32>
    %div3A = arith.constant 1.000000e+00 : f32
    %div3A_31 = vector.broadcast %div3A : f32 to vector<1x16384xf32>
    %div3A_32 = arith.divf %div3A_31, %add3A_30 : vector<1x16384xf32>
    %iota3A = tpu.iota {dimensions = array<i32: 1>} : vector<1x16384xi32>
    %lt3A = arith.constant 16320 : i32
    %lt3A_33 = vector.broadcast %lt3A : i32 to vector<1x16384xi32>
    %lt3A_34 = arith.cmpi slt, %iota3A, %lt3A_33 : vector<1x16384xi32>
    %jit3A = arith.constant -1.000000e+00 : f32
    %broadcast_in_dim3A = vector.broadcast %jit3A : f32 to vector<1x16384xf32>
    %select_n3A = arith.select %lt3A_34, %div3A_32, %broadcast_in_dim3A : vector<1x16384xi1>, vector<1x16384xf32>
    %add3A_35 = arith.addf %get3A_19, %get3A_25 : vector<1x16384xf32>
    %mul3A = arith.constant 5.000000e-01 : f32
    %mul3A_36 = vector.broadcast %mul3A : f32 to vector<1x16384xf32>
    %mul3A_37 = arith.mulf %mul3A_36, %add3A_35 : vector<1x16384xf32>
    %add3A_38 = arith.addf %get3A_22, %get3A_28 : vector<1x16384xf32>
    %mul3A_39 = arith.constant 5.000000e-01 : f32
    %mul3A_40 = vector.broadcast %mul3A_39 : f32 to vector<1x16384xf32>
    %mul3A_41 = arith.mulf %mul3A_40, %add3A_38 : vector<1x16384xf32>
    %sub3A_42 = arith.subf %get3A_25, %get3A_19 : vector<1x16384xf32>
    %sub3A_43 = arith.subf %get3A_28, %get3A_22 : vector<1x16384xf32>
    %mul3A_44 = arith.mulf %get3A_7, %sub3A_42 : vector<1x16384xf32>
    %add3A_45 = arith.addf %mul3A_37, %mul3A_44 : vector<1x16384xf32>
    %mul3A_46 = arith.mulf %get3A_10, %sub3A_43 : vector<1x16384xf32>
    %add3A_47 = arith.addf %mul3A_41, %mul3A_46 : vector<1x16384xf32>
    %jit3A_48 = arith.constant -4.000000e+00 : f32
    %jit3A_49 = arith.constant 4.000000e+00 : f32
    %max3A = vector.broadcast %jit3A_48 : f32 to vector<1x16384xf32>
    %max3A_50 = arith.maximumf %max3A, %get3A_13 : vector<1x16384xf32>
    %min3A = vector.broadcast %jit3A_49 : f32 to vector<1x16384xf32>
    %min3A_51 = arith.minimumf %min3A, %max3A_50 : vector<1x16384xf32>
    %exp3A_52 = math.exp %min3A_51 : vector<1x16384xf32>
    %mul3A_53 = arith.mulf %sub3A_42, %exp3A_52 : vector<1x16384xf32>
    %jit3A_54 = arith.constant -4.000000e+00 : f32
    %jit3A_55 = arith.constant 4.000000e+00 : f32
    %max3A_56 = vector.broadcast %jit3A_54 : f32 to vector<1x16384xf32>
    %max3A_57 = arith.maximumf %max3A_56, %get3A_16 : vector<1x16384xf32>
    %min3A_58 = vector.broadcast %jit3A_55 : f32 to vector<1x16384xf32>
    %min3A_59 = arith.minimumf %min3A_58, %max3A_57 : vector<1x16384xf32>
    %exp3A_60 = math.exp %min3A_59 : vector<1x16384xf32>
    %mul3A_61 = arith.mulf %sub3A_43, %exp3A_60 : vector<1x16384xf32>
    %mul3A_62 = arith.constant 5.000000e-01 : f32
    %mul3A_63 = vector.broadcast %mul3A_62 : f32 to vector<1x16384xf32>
    %mul3A_64 = arith.mulf %mul3A_63, %mul3A_53 : vector<1x16384xf32>
    %sub3A_65 = arith.subf %add3A_45, %mul3A_64 : vector<1x16384xf32>
    %jit3A_66 = arith.constant 0.000000e+00 : f32
    %jit3A_67 = arith.constant 5.120000e+02 : f32
    %max3A_68 = vector.broadcast %jit3A_66 : f32 to vector<1x16384xf32>
    %max3A_69 = arith.maximumf %max3A_68, %sub3A_65 : vector<1x16384xf32>
    %min3A_70 = vector.broadcast %jit3A_67 : f32 to vector<1x16384xf32>
    %min3A_71 = arith.minimumf %min3A_70, %max3A_69 : vector<1x16384xf32>
    %mul3A_72 = arith.constant 5.000000e-01 : f32
    %mul3A_73 = vector.broadcast %mul3A_72 : f32 to vector<1x16384xf32>
    %mul3A_74 = arith.mulf %mul3A_73, %mul3A_61 : vector<1x16384xf32>
    %sub3A_75 = arith.subf %add3A_47, %mul3A_74 : vector<1x16384xf32>
    %jit3A_76 = arith.constant 0.000000e+00 : f32
    %jit3A_77 = arith.constant 5.120000e+02 : f32
    %max3A_78 = vector.broadcast %jit3A_76 : f32 to vector<1x16384xf32>
    %max3A_79 = arith.maximumf %max3A_78, %sub3A_75 : vector<1x16384xf32>
    %min3A_80 = vector.broadcast %jit3A_77 : f32 to vector<1x16384xf32>
    %min3A_81 = arith.minimumf %min3A_80, %max3A_79 : vector<1x16384xf32>
    %mul3A_82 = arith.constant 5.000000e-01 : f32
    %mul3A_83 = vector.broadcast %mul3A_82 : f32 to vector<1x16384xf32>
    %mul3A_84 = arith.mulf %mul3A_83, %mul3A_53 : vector<1x16384xf32>
    %add3A_85 = arith.addf %add3A_45, %mul3A_84 : vector<1x16384xf32>
    %jit3A_86 = arith.constant 0.000000e+00 : f32
    %jit3A_87 = arith.constant 5.120000e+02 : f32
    %max3A_88 = vector.broadcast %jit3A_86 : f32 to vector<1x16384xf32>
    %max3A_89 = arith.maximumf %max3A_88, %add3A_85 : vector<1x16384xf32>
    %min3A_90 = vector.broadcast %jit3A_87 : f32 to vector<1x16384xf32>
    %min3A_91 = arith.minimumf %min3A_90, %max3A_89 : vector<1x16384xf32>
    %mul3A_92 = arith.constant 5.000000e-01 : f32
    %mul3A_93 = vector.broadcast %mul3A_92 : f32 to vector<1x16384xf32>
    %mul3A_94 = arith.mulf %mul3A_93, %mul3A_61 : vector<1x16384xf32>
    %add3A_95 = arith.addf %add3A_47, %mul3A_94 : vector<1x16384xf32>
    %jit3A_96 = arith.constant 0.000000e+00 : f32
    %jit3A_97 = arith.constant 5.120000e+02 : f32
    %max3A_98 = vector.broadcast %jit3A_96 : f32 to vector<1x16384xf32>
    %max3A_99 = arith.maximumf %max3A_98, %add3A_95 : vector<1x16384xf32>
    %min3A_100 = vector.broadcast %jit3A_97 : f32 to vector<1x16384xf32>
    %min3A_101 = arith.minimumf %min3A_100, %max3A_99 : vector<1x16384xf32>
    %swap3A = arith.constant 0 : index
    %swap3A_102 = arith.constant 0 : index
    %swap3A_103 = vector.load %arg2[%swap3A, %swap3A_102] : memref<4x16384xf32, #tpu.memory_space<vmem>>, vector<1x16384xf32>
    tpu.vector_store %arg2[%swap3A, %swap3A_102], %min3A_71 {strides = array<i32>} : memref<4x16384xf32, #tpu.memory_space<vmem>>, vector<1x16384xf32>,
    %swap3A_104 = arith.constant 1 : index
    %swap3A_105 = arith.constant 0 : index
    %swap3A_106 = vector.load %arg2[%swap3A_104, %swap3A_105] : memref<4x16384xf32, #tpu.memory_space<vmem>>, vector<1x16384xf32>
    tpu.vector_store %arg2[%swap3A_104, %swap3A_105], %min3A_81 {strides = array<i32>} : memref<4x16384xf32, #tpu.memory_space<vmem>>, vector<1x16384xf32>,
    %swap3A_107 = arith.constant 2 : index
    %swap3A_108 = arith.constant 0 : index
    %swap3A_109 = vector.load %arg2[%swap3A_107, %swap3A_108] : memref<4x16384xf32, #tpu.memory_space<vmem>>, vector<1x16384xf32>
    tpu.vector_store %arg2[%swap3A_107, %swap3A_108], %min3A_91 {strides = array<i32>} : memref<4x16384xf32, #tpu.memory_space<vmem>>, vector<1x16384xf32>,
    %swap3A_110 = arith.constant 3 : index
    %swap3A_111 = arith.constant 0 : index
    %swap3A_112 = vector.load %arg2[%swap3A_110, %swap3A_111] : memref<4x16384xf32, #tpu.memory_space<vmem>>, vector<1x16384xf32>
    tpu.vector_store %arg2[%swap3A_110, %swap3A_111], %min3A_101 {strides = array<i32>} : memref<4x16384xf32, #tpu.memory_space<vmem>>, vector<1x16384xf32>,
    %swap3A_113 = arith.constant 0 : index
    %swap3A_114 = arith.constant 0 : index
    %swap3A_115 = vector.load %arg3[%swap3A_113, %swap3A_114] : memref<1x16384xf32, #tpu.memory_space<vmem>>, vector<1x16384xf32>
    tpu.vector_store %arg3[%swap3A_113, %swap3A_114], %select_n3A {strides = array<i32>} : memref<1x16384xf32, #tpu.memory_space<vmem>>, vector<1x16384xf32>,
    return
  }
}

module attributes {stable_mosaic.version = 14 : i64} {
  func.func @_nms_body(%arg0: memref<32x512xf32, #tpu.memory_space<vmem>>, %arg1: memref<8x512xf32, #tpu.memory_space<vmem>>, %arg2: memref<300x4xf32, #tpu.memory_space<vmem>>) attributes {dimension_semantics = [], scalar_prefetch = 0 : i64, scratch_operands = 0 : i64, tpu.core_type = #tpu.core_type<tc>} {
    %get3A = arith.constant 0 : index
    %get3A_0 = arith.constant 0 : index
    %get3A_1 = vector.load %arg0[%get3A, %get3A_0] : memref<32x512xf32, #tpu.memory_space<vmem>>, vector<8x512xf32>
    %get3A_2 = arith.constant 8 : index
    %get3A_3 = arith.constant 0 : index
    %get3A_4 = vector.load %arg0[%get3A_2, %get3A_3] : memref<32x512xf32, #tpu.memory_space<vmem>>, vector<8x512xf32>
    %get3A_5 = arith.constant 16 : index
    %get3A_6 = arith.constant 0 : index
    %get3A_7 = vector.load %arg0[%get3A_5, %get3A_6] : memref<32x512xf32, #tpu.memory_space<vmem>>, vector<8x512xf32>
    %get3A_8 = arith.constant 24 : index
    %get3A_9 = arith.constant 0 : index
    %get3A_10 = vector.load %arg0[%get3A_8, %get3A_9] : memref<32x512xf32, #tpu.memory_space<vmem>>, vector<8x512xf32>
    %sub3A = arith.subf %get3A_7, %get3A_1 : vector<8x512xf32>
    %max3A = arith.constant 0.000000e+00 : f32
    %max3A_11 = vector.broadcast %max3A : f32 to vector<8x512xf32>
    %max3A_12 = arith.maximumf %sub3A, %max3A_11 : vector<8x512xf32>
    %sub3A_13 = arith.subf %get3A_10, %get3A_4 : vector<8x512xf32>
    %max3A_14 = arith.constant 0.000000e+00 : f32
    %max3A_15 = vector.broadcast %max3A_14 : f32 to vector<8x512xf32>
    %max3A_16 = arith.maximumf %sub3A_13, %max3A_15 : vector<8x512xf32>
    %mul3A = arith.mulf %max3A_12, %max3A_16 : vector<8x512xf32>
    %iota3A = tpu.iota {dimensions = array<i32: 0>} : vector<8x512xi32>
    %mul3A_17 = arith.constant 512 : i32
    %mul3A_18 = vector.broadcast %mul3A_17 : i32 to vector<8x512xi32>
    %mul3A_19 = arith.muli %iota3A, %mul3A_18 : vector<8x512xi32>
    %iota3A_20 = tpu.iota {dimensions = array<i32: 1>} : vector<8x512xi32>
    %add3A = arith.addi %mul3A_19, %iota3A_20 : vector<8x512xi32>
    %convert_element_type3A = arith.sitofp %add3A : vector<8x512xi32> to vector<8x512xf32>
    %get3A_21 = arith.constant 0 : index
    %get3A_22 = arith.constant 0 : index
    %get3A_23 = vector.load %arg1[%get3A_21, %get3A_22] : memref<8x512xf32, #tpu.memory_space<vmem>>, vector<8x512xf32>
    %ge3A = arith.constant 5.000000e-01 : f32
    %ge3A_24 = vector.broadcast %ge3A : f32 to vector<8x512xf32>
    %ge3A_25 = arith.cmpf oge, %get3A_23, %ge3A_24 : vector<8x512xf32>
    %jit3A = arith.constant 4.096000e+03 : f32
    %broadcast_in_dim3A = vector.broadcast %jit3A : f32 to vector<8x512xf32>
    %select_n3A = arith.select %ge3A_25, %convert_element_type3A, %broadcast_in_dim3A : vector<8x512xi1>, vector<8x512xf32>
    %broadcast_in_dim3A_26 = arith.constant 0.000000e+00 : f32
    %broadcast_in_dim3A_27 = vector.broadcast %broadcast_in_dim3A_26 : f32 to vector<300x4xf32>
    %swap3A = arith.constant 0 : index
    %swap3A_28 = arith.constant 0 : index
    %swap3A_29 = vector.load %arg2[%swap3A, %swap3A_28] : memref<300x4xf32, #tpu.memory_space<vmem>>, vector<300x4xf32>
    tpu.vector_store %arg2[%swap3A, %swap3A_28], %broadcast_in_dim3A_27 {strides = array<i32>} : memref<300x4xf32, #tpu.memory_space<vmem>>, vector<300x4xf32>,
    %iota3A_30 = tpu.iota {dimensions = array<i32: 1>} : vector<1x4xi32>
    %while3A = arith.constant 0 : i32
    %while3A_31:2 = scf.while (%while3A_32 = %select_n3A, %while3A_33 = %while3A) : (vector<8x512xf32>, i32) -> (vector<8x512xf32>, i32) {
      %lt3A = arith.constant 300 : i32
      %lt3A_34 = arith.cmpi slt, %while3A_33, %lt3A : i32
      scf.condition(%lt3A_34) %while3A_32, %while3A_33 : vector<8x512xf32>, i32
    } do {
    ^bb0(%while3A_32: vector<8x512xf32>, %while3A_33: i32):
      %reduce_min3A = vector.shape_cast %while3A_32 : vector<8x512xf32> to vector<1x8x512xf32>
      %reduce_min3A_34 = arith.constant dense<0x7F800000> : vector<1xf32>
      %reduce_min3A_35 = vector.multi_reduction <minimumf>, %reduce_min3A, %reduce_min3A_34 [1, 2] : vector<1x8x512xf32> to vector<1xf32>
      %reduce_min3A_36 = vector.shape_cast %reduce_min3A_35 : vector<1xf32> to vector<1x1x1xf32>
      %reduce_min3A_37 = vector.extract %reduce_min3A_36[0, 0, 0] : f32 from vector<1x1x1xf32>
      %eq3A = vector.broadcast %reduce_min3A_37 : f32 to vector<8x512xf32>
      %eq3A_38 = arith.cmpf oeq, %convert_element_type3A, %eq3A : vector<8x512xf32>
      %jit3A_39 = arith.constant 1.000000e+00 : f32
      %jit3A_40 = arith.constant 0.000000e+00 : f32
      %broadcast_in_dim3A_41 = vector.broadcast %jit3A_39 : f32 to vector<8x512xf32>
      %broadcast_in_dim3A_42 = vector.broadcast %jit3A_40 : f32 to vector<8x512xf32>
      %select_n3A_43 = arith.select %eq3A_38, %broadcast_in_dim3A_41, %broadcast_in_dim3A_42 : vector<8x512xi1>, vector<8x512xf32>
      %mul3A_44 = arith.mulf %select_n3A_43, %get3A_1 : vector<8x512xf32>
      %reduce_sum3A = vector.shape_cast %mul3A_44 : vector<8x512xf32> to vector<1x8x512xf32>
      %reduce_sum3A_45 = arith.constant dense<0.000000e+00> : vector<1xf32>
      %reduce_sum3A_46 = vector.multi_reduction <add>, %reduce_sum3A, %reduce_sum3A_45 [1, 2] : vector<1x8x512xf32> to vector<1xf32>
      %reduce_sum3A_47 = vector.shape_cast %reduce_sum3A_46 : vector<1xf32> to vector<1x1x1xf32>
      %reduce_sum3A_48 = vector.extract %reduce_sum3A_47[0, 0, 0] : f32 from vector<1x1x1xf32>
      %mul3A_49 = arith.mulf %select_n3A_43, %get3A_4 : vector<8x512xf32>
      %reduce_sum3A_50 = vector.shape_cast %mul3A_49 : vector<8x512xf32> to vector<1x8x512xf32>
      %reduce_sum3A_51 = arith.constant dense<0.000000e+00> : vector<1xf32>
      %reduce_sum3A_52 = vector.multi_reduction <add>, %reduce_sum3A_50, %reduce_sum3A_51 [1, 2] : vector<1x8x512xf32> to vector<1xf32>
      %reduce_sum3A_53 = vector.shape_cast %reduce_sum3A_52 : vector<1xf32> to vector<1x1x1xf32>
      %reduce_sum3A_54 = vector.extract %reduce_sum3A_53[0, 0, 0] : f32 from vector<1x1x1xf32>
      %mul3A_55 = arith.mulf %select_n3A_43, %get3A_7 : vector<8x512xf32>
      %reduce_sum3A_56 = vector.shape_cast %mul3A_55 : vector<8x512xf32> to vector<1x8x512xf32>
      %reduce_sum3A_57 = arith.constant dense<0.000000e+00> : vector<1xf32>
      %reduce_sum3A_58 = vector.multi_reduction <add>, %reduce_sum3A_56, %reduce_sum3A_57 [1, 2] : vector<1x8x512xf32> to vector<1xf32>
      %reduce_sum3A_59 = vector.shape_cast %reduce_sum3A_58 : vector<1xf32> to vector<1x1x1xf32>
      %reduce_sum3A_60 = vector.extract %reduce_sum3A_59[0, 0, 0] : f32 from vector<1x1x1xf32>
      %mul3A_61 = arith.mulf %select_n3A_43, %get3A_10 : vector<8x512xf32>
      %reduce_sum3A_62 = vector.shape_cast %mul3A_61 : vector<8x512xf32> to vector<1x8x512xf32>
      %reduce_sum3A_63 = arith.constant dense<0.000000e+00> : vector<1xf32>
      %reduce_sum3A_64 = vector.multi_reduction <add>, %reduce_sum3A_62, %reduce_sum3A_63 [1, 2] : vector<1x8x512xf32> to vector<1xf32>
      %reduce_sum3A_65 = vector.shape_cast %reduce_sum3A_64 : vector<1xf32> to vector<1x1x1xf32>
      %reduce_sum3A_66 = vector.extract %reduce_sum3A_65[0, 0, 0] : f32 from vector<1x1x1xf32>
      %sub3A_67 = arith.subf %reduce_sum3A_60, %reduce_sum3A_48 : f32
      %max3A_68 = arith.constant 0.000000e+00 : f32
      %max3A_69 = arith.maximumf %sub3A_67, %max3A_68 : f32
      %sub3A_70 = arith.subf %reduce_sum3A_66, %reduce_sum3A_54 : f32
      %max3A_71 = arith.constant 0.000000e+00 : f32
      %max3A_72 = arith.maximumf %sub3A_70, %max3A_71 : f32
      %mul3A_73 = arith.mulf %max3A_69, %max3A_72 : f32
      %min3A = vector.broadcast %reduce_sum3A_60 : f32 to vector<8x512xf32>
      %min3A_74 = arith.minimumf %min3A, %get3A_7 : vector<8x512xf32>
      %max3A_75 = vector.broadcast %reduce_sum3A_48 : f32 to vector<8x512xf32>
      %max3A_76 = arith.maximumf %max3A_75, %get3A_1 : vector<8x512xf32>
      %sub3A_77 = arith.subf %min3A_74, %max3A_76 : vector<8x512xf32>
      %max3A_78 = arith.constant 0.000000e+00 : f32
      %max3A_79 = vector.broadcast %max3A_78 : f32 to vector<8x512xf32>
      %max3A_80 = arith.maximumf %sub3A_77, %max3A_79 : vector<8x512xf32>
      %min3A_81 = vector.broadcast %reduce_sum3A_66 : f32 to vector<8x512xf32>
      %min3A_82 = arith.minimumf %min3A_81, %get3A_10 : vector<8x512xf32>
      %max3A_83 = vector.broadcast %reduce_sum3A_54 : f32 to vector<8x512xf32>
      %max3A_84 = arith.maximumf %max3A_83, %get3A_4 : vector<8x512xf32>
      %sub3A_85 = arith.subf %min3A_82, %max3A_84 : vector<8x512xf32>
      %max3A_86 = arith.constant 0.000000e+00 : f32
      %max3A_87 = vector.broadcast %max3A_86 : f32 to vector<8x512xf32>
      %max3A_88 = arith.maximumf %sub3A_85, %max3A_87 : vector<8x512xf32>
      %mul3A_89 = arith.mulf %max3A_80, %max3A_88 : vector<8x512xf32>
      %mul3A_90 = arith.constant 3.000000e+00 : f32
      %mul3A_91 = vector.broadcast %mul3A_90 : f32 to vector<8x512xf32>
      %mul3A_92 = arith.mulf %mul3A_91, %mul3A_89 : vector<8x512xf32>
      %add3A_93 = vector.broadcast %mul3A_73 : f32 to vector<8x512xf32>
      %add3A_94 = arith.addf %add3A_93, %mul3A : vector<8x512xf32>
      %gt3A = arith.cmpf ogt, %mul3A_92, %add3A_94 : vector<8x512xf32>
      %jit3A_95 = arith.constant 4.096000e+03 : f32
      %broadcast_in_dim3A_96 = vector.broadcast %jit3A_95 : f32 to vector<8x512xf32>
      %select_n3A_97 = arith.select %gt3A, %broadcast_in_dim3A_96, %while3A_32 : vector<8x512xi1>, vector<8x512xf32>
      %eq3A_98 = vector.broadcast %reduce_min3A_37 : f32 to vector<8x512xf32>
      %eq3A_99 = arith.cmpf oeq, %convert_element_type3A, %eq3A_98 : vector<8x512xf32>
      %jit3A_100 = arith.constant 4.096000e+03 : f32
      %broadcast_in_dim3A_101 = vector.broadcast %jit3A_100 : f32 to vector<8x512xf32>
      %select_n3A_102 = arith.select %eq3A_99, %broadcast_in_dim3A_101, %select_n3A_97 : vector<8x512xi1>, vector<8x512xf32>
      %eq3A_103 = arith.constant 0 : i32
      %eq3A_104 = vector.broadcast %eq3A_103 : i32 to vector<1x4xi32>
      %eq3A_105 = arith.cmpi eq, %iota3A_30, %eq3A_104 : vector<1x4xi32>
      %jit3A_106 = arith.constant 0.000000e+00 : f32
      %broadcast_in_dim3A_107 = vector.broadcast %reduce_sum3A_48 : f32 to vector<1x4xf32>
      %broadcast_in_dim3A_108 = vector.broadcast %jit3A_106 : f32 to vector<1x4xf32>
      %select_n3A_109 = arith.select %eq3A_105, %broadcast_in_dim3A_107, %broadcast_in_dim3A_108 : vector<1x4xi1>, vector<1x4xf32>
      %eq3A_110 = arith.constant 1 : i32
      %eq3A_111 = vector.broadcast %eq3A_110 : i32 to vector<1x4xi32>
      %eq3A_112 = arith.cmpi eq, %iota3A_30, %eq3A_111 : vector<1x4xi32>
      %jit3A_113 = arith.constant 0.000000e+00 : f32
      %broadcast_in_dim3A_114 = vector.broadcast %reduce_sum3A_54 : f32 to vector<1x4xf32>
      %broadcast_in_dim3A_115 = vector.broadcast %jit3A_113 : f32 to vector<1x4xf32>
      %select_n3A_116 = arith.select %eq3A_112, %broadcast_in_dim3A_114, %broadcast_in_dim3A_115 : vector<1x4xi1>, vector<1x4xf32>
      %add3A_117 = arith.addf %select_n3A_109, %select_n3A_116 : vector<1x4xf32>
      %eq3A_118 = arith.constant 2 : i32
      %eq3A_119 = vector.broadcast %eq3A_118 : i32 to vector<1x4xi32>
      %eq3A_120 = arith.cmpi eq, %iota3A_30, %eq3A_119 : vector<1x4xi32>
      %jit3A_121 = arith.constant 0.000000e+00 : f32
      %broadcast_in_dim3A_122 = vector.broadcast %reduce_sum3A_60 : f32 to vector<1x4xf32>
      %broadcast_in_dim3A_123 = vector.broadcast %jit3A_121 : f32 to vector<1x4xf32>
      %select_n3A_124 = arith.select %eq3A_120, %broadcast_in_dim3A_122, %broadcast_in_dim3A_123 : vector<1x4xi1>, vector<1x4xf32>
      %add3A_125 = arith.addf %add3A_117, %select_n3A_124 : vector<1x4xf32>
      %eq3A_126 = arith.constant 3 : i32
      %eq3A_127 = vector.broadcast %eq3A_126 : i32 to vector<1x4xi32>
      %eq3A_128 = arith.cmpi eq, %iota3A_30, %eq3A_127 : vector<1x4xi32>
      %jit3A_129 = arith.constant 0.000000e+00 : f32
      %broadcast_in_dim3A_130 = vector.broadcast %reduce_sum3A_66 : f32 to vector<1x4xf32>
      %broadcast_in_dim3A_131 = vector.broadcast %jit3A_129 : f32 to vector<1x4xf32>
      %select_n3A_132 = arith.select %eq3A_128, %broadcast_in_dim3A_130, %broadcast_in_dim3A_131 : vector<1x4xi1>, vector<1x4xf32>
      %add3A_133 = arith.addf %add3A_125, %select_n3A_132 : vector<1x4xf32>
      %swap3A_134 = arith.index_cast %while3A_33 : i32 to index
      %swap3A_135 = arith.constant 0 : index
      %swap3A_136 = vector.load %arg2[%swap3A_134, %swap3A_135] : memref<300x4xf32, #tpu.memory_space<vmem>>, vector<1x4xf32>
      tpu.vector_store %arg2[%swap3A_134, %swap3A_135], %add3A_133 {strides = array<i32>} : memref<300x4xf32, #tpu.memory_space<vmem>>, vector<1x4xf32>,
      %lt3A = arith.constant 4.096000e+03 : f32
      %lt3A_137 = arith.cmpf olt, %reduce_min3A_37, %lt3A : f32
      %add3A_138 = arith.constant 1 : i32
      %add3A_139 = arith.addi %while3A_33, %add3A_138 : i32
      %jit3A_140 = arith.constant 300 : i32
      %select_n3A_141 = arith.select %lt3A_137, %add3A_139, %jit3A_140 : i32
      scf.yield %select_n3A_102, %select_n3A_141 : vector<8x512xf32>, i32
    }
    return
  }
}

</mosaic_0001>

<sc_bundles>
// kernel: gather_offload_async_start
scs
__scs_entry_jumppad:
0x0: {  	(pc) =	sbr.rel $0x88, $3  }
0x1: {  	(tag) =	ssettag $0x0;
	lr =	simm.s32 $0x1  }
0x2: {  	[smem:$0x3F99] =	sst lr;
	_ =	strace $0xD0000000  }
0x3: {  	_ = 	snop  }
0x4: {  	_ = 	snop  }
0x5: {  	_ = 	snop  }
0x6: {  	_ = 	snop  }
0x7: {  	_ = 	snop  }
__scs_overlays_trampoline_lowered:
0x8: {  	[smem:$0x3FA8] =	sst s0  }
0x9: {  	[smem:$0x3FA9] =	sst s1  }
0xa: {  	[smem:$0x3FAA] =	sst s2  }
0xb: {  	[smem:$0x3FAB] =	sst s3  }
0xc: {  	[smem:$0x3FAC] =	sst s4  }
0xd: {  	[smem:$0x3FAD] =	sst s5  }
0xe: {  	[smem:$0x3FAE] =	sst s6  }
0xf: {  	[smem:$0x3FAF] =	sst s7  }
0x10: {  	[smem:$0x3FB0] =	sst s8  }
0x11: {  	[smem:$0x3FB1] =	sst s9;
	s0 =	simm.s32 @!p0 $0x0  }
0x12: {  	s1 =	sld [smem:$0x3F97];
	s0 =	simm.s32 @p0 $0x1  }
0x13: {  	[smem:$0x3FB2] =	sst s0;
	s0 =	simm.s32 @!p1 $0x0  }
0x14: {  	s2 =	sld [smem:$0x3F96];
	s0 =	simm.s32 @p1 $0x1  }
0x15: {  	[smem:$0x3FB3] =	sst s0;
	s0 =	simm.s32 @!p2 $0x0  }
0x16: {  	s3 =	sld [smem:$0x3FDB];
	s0 =	simm.s32 @p2 $0x1  }
0x17: {  	s4 =	simm.s32 $0x1BF5;
	[smem:$0x3FB5] =	sst s0  }
0x18: {  	s0 =	sld [smem:$0x3F98];
	_ =	swait.ge [sflag:s4], $0x0  }
0x19: {  	s7 =	sld [smem:$0x3F99]  }
0x1a: {  	s8 =	sadd.s32 $0xFFFFE003, lr  }
0x1b: {  	s9 =	sadd.s32 $0xFFFFFEF7, lr;
	s5 =	simm.s32 $0xFFFFFFFF;
	p2 =	slt.u32 s8, $0xFFFFF086  }
0x1c: {  	p1 =	slt.u32 s9, $0xF7A;
	s5 =	simm.s32 @!p2 $0x0  }
0x1d: {  	s5 =	simm.s32 @p1 $0x1;
	p0 =	seq.s32 s7, s2  }
0x1e: {  	s7 =	smul.u32 @!p0 $0xF7A, s2;
	p2 =	seq.s32 @!p0 s5, $0x0  }
0x1f: {  	s9 =	smul.u32 $0xF7A, s1;
	s8 =	simm.s32 @!p0 $0x1BF5;
	p2 =	por !p2, p0  }
0x20: {  	[sflag:s8] =	ssyncset.s32 @!p0 $0xFFFFF086;
	s6 =	sadd.s32 @!p0 s3, s7;
	s7 =	simm.s32 @!p0 $0x108  }
0x21: {  	s3 =	sadd.s32 s3, s9;
	s6 =	sadd.s32 @!p0 $0x88, s6;
	s7 =	simm.s32 @p2 $0x1082  }
0x22: {  	[simem:s7], [sflag:s8] =	dma.local @!p0 [hbm:s6], $0xF7A  }
0x23: {  	s9 =	sor.u32 $0xD0000000, s2;
	s6 =	simm.s32 $0x108;
	_ =	swait.ge @!p0 [sflag:s8], $0x0  }
0x24: {  	s3 =	sadd.s32 $0x88, s3;
	s6 =	simm.s32 @!p1 $0x1082;
	[sflag:s4] =	ssyncset.s32 $0xFFFFF086  }
0x25: {  	[simem:s6], [sflag:s4] =	dma.local [hbm:s3], $0xF7A  }
0x26: {  	[smem:$0x3F99] =	sst s1;
	(tag) =	ssettag s2;
	_ =	strace s9  }
0x27: {  	s1 =	sld [smem:$0x3FA9]  }
0x28: {  	s2 =	sld [smem:$0x3FAA]  }
0x29: {  	s4 =	sld [smem:$0x3FAC]  }
0x2a: {  	p0 =	seq.s32 s5, $0x0;
	s5 =	sld [smem:$0x3FAD]  }
0x2b: {  	s6 =	sld [smem:$0x3FAE]  }
0x2c: {  	s7 =	sld [smem:$0x3FAF]  }
0x2d: {  	s3 =	simm.s32 $0x108;
	s8 =	sld [smem:$0x3FB0]  }
0x2e: {  	s3 =	simm.s32 @!p0 $0x1082;
	s9 =	sld [smem:$0x3FB1]  }
0x2f: {  	lr =	sadd.s32 s0, s3;
	s0 =	sld [smem:$0x3FA8]  }
0x30: {  	s3 =	sld [smem:$0x3FAB]  }
0x31: {  	[smem:$0x3FB4] =	sst s10  }
0x32: {  	s10 =	sld [smem:$0x3FB2];
	_ =	sdelay $0x3  }
0x33: {  	p0 =	seq.s32 s10, $0x1;
	s10 =	sld [smem:$0x3FB4];
	_ =	sdelay $0x3  }
0x34: {  	[smem:$0x3FB4] =	sst s10  }
0x35: {  	s10 =	sld [smem:$0x3FB3];
	_ =	sdelay $0x3  }
0x36: {  	p1 =	seq.s32 s10, $0x1;
	s10 =	sld [smem:$0x3FB4];
	_ =	sdelay $0x3  }
0x37: {  	[smem:$0x3FB4] =	sst s10  }
0x38: {  	s10 =	sld [smem:$0x3FB5]  }
0x39: {  	_ = 	snop;
	(pc) =	sbr.ind lr, $3  }
0x3a: {  	_ = 	snop  }
0x3b: {  	_ = 	snop  }
0x3c: {  	p2 =	seq.s32 s10, $0x1;
	s10 =	sld [smem:$0x3FB4]  }
0x3d: {  	_ =	shalt  }
0x3e: {  	_ =	shalt  }
0x3f: {  	_ =	shalt  }
0x40: {  	_ =	shalt  }
0x41: {  	_ =	shalt  }
0x42: {  	_ =	shalt  }
0x43: {  	_ =	shalt  }
0x44: {  	_ =	shalt  }
0x45: {  	_ =	shalt  }
0x46: {  	_ =	shalt  }
0x47: {  	_ =	shalt  }
0x48: {  	_ =	shalt  }
0x49: {  	_ =	shalt  }
0x4a: {  	_ =	shalt  }
0x4b: {  	_ =	shalt  }
0x4c: {  	_ =	shalt  }
0x4d: {  	_ =	shalt  }
0x4e: {  	_ =	shalt  }
0x4f: {  	_ =	shalt  }
0x50: {  	_ =	shalt  }
0x51: {  	_ =	shalt  }
0x52: {  	_ =	shalt  }
0x53: {  	_ =	shalt  }
0x54: {  	_ =	shalt  }
0x55: {  	_ =	shalt  }
0x56: {  	_ =	shalt  }
0x57: {  	_ =	shalt  }
0x58: {  	_ =	shalt  }
0x59: {  	_ =	shalt  }
0x5a: {  	_ =	shalt  }
0x5b: {  	_ =	shalt  }
0x5c: {  	_ =	shalt  }
0x5d: {  	_ =	shalt  }
0x5e: {  	_ =	shalt  }
0x5f: {  	_ =	shalt  }
0x60: {  	_ =	shalt  }
0x61: {  	_ =	shalt  }
0x62: {  	_ =	shalt  }
0x63: {  	_ =	shalt  }
0x64: {  	_ =	shalt  }
0x65: {  	_ =	shalt  }
0x66: {  	_ =	shalt  }
0x67: {  	_ =	shalt  }
0x68: {  	_ =	shalt  }
0x69: {  	_ =	shalt  }
0x6a: {  	_ =	shalt  }
0x6b: {  	_ =	shalt  }
0x6c: {  	_ =	shalt  }
0x6d: {  	_ =	shalt  }
0x6e: {  	_ =	shalt  }
0x6f: {  	_ =	shalt  }
0x70: {  	_ =	shalt  }
0x71: {  	_ =	shalt  }
0x72: {  	_ =	shalt  }
0x73: {  	_ =	shalt  }
0x74: {  	_ =	shalt  }
0x75: {  	_ =	shalt  }
0x76: {  	_ =	shalt  }
0x77: {  	_ =	shalt  }
0x78: {  	_ =	shalt  }
0x79: {  	_ =	shalt  }
0x7a: {  	_ =	shalt  }
0x7b: {  	_ =	shalt  }
0x7c: {  	_ =	shalt  }
0x7d: {  	_ =	shalt  }
0x7e: {  	_ =	shalt  }
0x7f: {  	_ =	shalt  }
0x80: {  	_ =	shalt  }
0x81: {  	_ =	shalt  }
0x82: {  	_ =	shalt  }
0x83: {  	_ =	shalt  }
0x84: {  	_ =	shalt  }
0x85: {  	_ =	shalt  }
0x86: {  	_ =	shalt  }
0x87: {  	_ =	shalt  }
.Lfunc_end0:
.L_simem_size_0:
called_computation_lowered:
.L_overlay_start_0:
0x88: {  	s2 =	sld [smem:$0x3FD9]  }
0x89: {  	s3 =	sld [smem:$0x3FFE];
	_ =	sdelay $0x1  }
0x8a: {  	s1 =	srdreg.scid  }
0x8b: {  	s0 =	sand.u32 $0x1, s1  }
0x8c: {  	s16 =	sshll.u32 s0, $0xA;
	s2 =	sadd.s32 s3, s2  }
0x8d: {  	s2 =	sadd.s32 s2, s16  }
0x8e: {  	[smem:$0x3FC0] =	sst s2  }
0x8f: {  	_ = 	snop  }
0x90: {  	(tm) =	ssettm $0x1  }
0x91: {  	s17 =	sld [smem:$0x3FFB];
	_ =	sdelay $0x3  }
0x92: {  	_ =	strace s17  }
0x93: {  	s2 =	sld [smem:$0x3FFC];
	_ =	sdelay $0x3  }
0x94: {  	_ =	strace s2  }
0x95: {  	s2 =	sld [smem:$0x3FFD];
	_ =	sdelay $0x3  }
0x96: {  	_ =	strace s2  }
0x97: {  	_ =	strace $0x8FFFFFFF  }
0x98: {  	s18 =	sld [smem:$0x3FDB];
	_ =	sdelay $0x1  }
0x99: {  	s19 =	simm.s32 $_scs_section_size  }
0x9a: {  	s4 =	simm.s32 $_size__tile_overlayer_lowered;
	s5 =	simm.s32 $_tile_overlayer_lowered  }
0x9b: {  	s22 =	simm.s32 $0x1BFF;
	s21 =	sshll.u32 s5, $0x1;
	s2 =	sadd.s32 s19, s18  }
0x9c: {  	s6 =	simm.s32 $0x0;
	s20 =	sshll.u32 s4, $0x1;
	s4 =	sadd.s32 s21, s2  }
0x9d: {  	[timem:s6], [sflag:s22] =	dma.local [hbm:s4], s20  }
0x9e: {  	_ =	swait.ge [sflag:s22], s20  }
0x9f: {  	s3 =	ssub.s32 $0x0, s20;
	[sflag:s22] =	ssyncset.done $0x0  }
0xa0: {  	[sflag:s22] =	ssyncadd.s32 s3;
	_ =	sdelay $0x1  }
0xa1: {  	s23 =	simm.s32 $0x1B8B  }
0xa2: {  	_ =	swait.ge [sflag:s23], $0x1  }
0xa3: {  	[sflag:s23] =	ssyncset.done $0x0  }
0xa4: {  	s25 =	simm.s32 $0x1B8E;
	s24 =	sld [smem:$0x3FFE];
	[sflag:s23] =	ssyncadd.s32 $0xFFFFFFFF  }
0xa5: {  	s26 =	simm.s32 $execute0_lowered;
	[smem:$0x3FD2] =	sst s25  }
0xa6: {  	s4 =	sshll.u32 s26, $0x1;
	_ =	strace $0x80000046;
	[dreg:$0x1] =	wrdreg $0xFFFFFFFF  }
0xa7: {  	s28 =	simm.s32 $_size_execute0_lowered;
	s2 =	sadd.s32 s2, s4;
	[dreg:$0x0] =	wrdreg $0x0  }
0xa8: {  	s4 =	sshll.u32 s28, $0x1;
	[dreg:$0x2] =	wrdreg s2  }
0xa9: {  	[dreg:$0x3] =	wrdreg s4  }
0xaa: {  	[dreg:$0x4] =	wrdreg $0xC0  }
0xab: {  	_ =	task [dreg:s6], $0x5FFFF  }
0xac: {  	[dreg:$0x1] =	wrdreg $0xFFFFFFFF  }
0xad: {  	[dreg:$0x0] =	wrdreg $0x60  }
0xae: {  	[dreg:$0x2] =	wrdreg s24  }
0xaf: {  	[dreg:$0x3] =	wrdreg $0x9  }
0xb0: {  	_ =	task.clear_ibuf [dreg:s6], $0x4FFFF;
	_ =	strace $0x90000046  }
0xb1: {  	s29 =	simm.s32 $0x9;
	_ =	strace $0x80000048  }
0xb2: {  	_ =	swait.ge [sflag:s29], $0x1  }
0xb3: {  	[sflag:s29] =	ssyncadd.s32 $0xFFFFFFFF  }
0xb4: {  	_ =	strace $0x90000048  }
0xb5: {  	_ =	sfence  }
0xb6: {  	s30 =	sld [smem:$0x0];
	_ =	sdelay $0x2  }
0xb7: {  	s31 =	sshll.u32 s1, $0xD;
	s1 =	sshrl.u32 s1, $0x2  }
0xb8: {  	s3 =	sand.u32 $0x4000, s31;
	s1 =	sadd.s32 s1, s30  }
0xb9: {  	s0 =	sor.u32 s3, s0;
	s1 =	sshll.u32 s1, $0x11  }
0xba: {  	s0 =	sor.u32 s1, s0  }
0xbb: {  	s0 =	sadd.s32 $0x8F2B, s0  }
0xbc: {  	[sflag:s0] =	ssyncadd.remote.s32 $0x1  }
0xbd: {  	_ =	sfence.sel $0xFFFF  }
0xbe: {  	[dreg:$0x0] =	wrdreg $0xFFFFFFFF;
	(pc) =	sbr.abs _section_cstart, $3  }
0xbf: {  	[dreg:$0x1] =	wrdreg $0xFFFFFFFF  }
0xc0: {  	_ =	task.clear_ibuf [dreg:s6], $0x2FFFF;
	_ =	strace $0x9FFFFFFF  }
0xc1: {  	(tm) =	ssettm $0x7FFFFFFF  }
tec
execute0_lowered:
.L_overlay_start_1:
0x0: {  	(tag) =	ssettag $0x1  }
0x1: {  	s0 =	srdreg.scid  }
0x2: {  	s1 =	sshll.u32 s0, $0x4  }
0x3: {  	s0 =	stileid.u32;
	s1 =	sand.u32 $0x10, s1  }
0x4: {  	s1 =	sor.u32 s0, s1  }
0x5: {  	s2 =	smin.u32 s1, $0x12  }
0x6: {  	s2 =	sadd.s32 s1, s2  }
0x7: {  	p0 =	slt.u32 s1, $0x12;
	s1 =	simm.s32 $0xA0;
	s2 =	smul.u32 $0x50, s2  }
0x8: {  	s1 =	simm.s32 @!p0 $0x50  }
0x9: {  	s1 =	sadd.s32 s1, s2  }
0xa: {  	s3 =	smin.u32 s1, $0xFA0  }
0xb: {  	s7 =	ssub.s32 s3, s2  }
0xc: {  	p0 =	sgt.s32 s7, $0x0  }
0xd: {  	s7 =	simm.s32 @!p0 $0x0  }
0xe: {  	s31 =	smul.u32 $0xCCCD, s7  }
0xf: {  	s4 =	rddreg [dreg:$0x0];
	s6 =	simm.s32 $0x1  }
0x10: {  	s10 =	simm.s32 $0x3;
	s13 =	simm.s32 $0x0;
	s8 =	sshrl.u32 s31, $0x16  }
0x11: {  	s12 =	simm.s32 $0x0;
	s5 =	sadd.s32 $0x200, s4;
	s9 =	smul.u32 $0x50, s8  }
.Ltmp0:
0x12: {  	s11 =	smov.u32 s2;
	s1 =	rddreg [dreg:$0x1];
	(pc) =	sbr.rel .LBB2_1-.Ltmp0, $4  }
0x13: {  	_ =	strace $0x80000047;
	p0 =	sne.s32 s7, s9;
	s9 =	simm.s32 $0x1  }
0x14: {  	[sflag:s6] =	ssyncpa.u1 $0x0;
	s7 =	simm.s32 $0x2;
	s9 =	simm.s32 @!p0 $0x0  }
0x15: {  	[sflag:s7] =	ssyncpa.u1 $0x0;
	p0 =	por $0x0, $0x0;
	s8 =	sadd.s32 s8, s9  }
0x16: {  	vm0 =	vmmov $0xff;
	vm1 =	vcmask $0x3F20;
	s9 =	sadd.s32 $0x40200, s4;
	[sflag:s10] =	ssyncpa.u1 $0x0;
	s10 =	sadd.s32 $0x1, s8  }
.LBB2_6:
0x17: {  	[hbm:s17] =	stream.linear.scatter [tilespmem:s14], [sflag:$0x3], $0x400, $0x38;
	[tilespmem:$0x50A0] =	vst v63  }
.LBB2_7:
0x18: {  	s13 =	sadd.s32 $0x50, s11  }
0x19: {  	s15 =	smov.u32 s2;
	p2 =	slt.s32 s13, s3  }
0x1a: {  	s15 =	smov.u32 @p2 s13;
	p2 =	sne.s32 s12, s10  }
.Ltmp1:
0x1b: {  	p1 =	slt.u32 s12, $0x2;
	(pc) =	sbr.rel @!p2 .LBB2_8-.Ltmp1, $4  }
0x1c: {  	s14 =	simm.s32 @!p1 $0x3  }
0x1d: {  	s16 =	sadd.s32 $0x1, s12;
	_ =	swait.ge @!p1 [sflag:s14], $0x2800  }
0x1e: {  	p0 =	por !p0, !p0;
	s13 =	smov.u32 s11;
	[sflag:s14] =	ssyncset.done @!p1 $0x0  }
0x1f: {  	s12 =	smov.u32 s16;
	s11 =	smov.u32 s15;
	[sflag:s14] =	ssyncadd.s32 @!p1 $0xFFFFD800  }
.LBB2_1:
0x20: {  	p1 =	sge.u32 s12, s8  }
0x21: {  	s14 =	sxor.u32 @!p1 $0xFFFFFFFF, s12  }
0x22: {  	s14 =	sand.u32 @!p1 $0x1, s14  }
0x23: {  	s14 =	smul.u32 @!p1 $0x140, s14  }
0x24: {  	s31 =	sadd.s32 $0xFFFFFFFF, s12;
	s15 =	sshrl.u32 @!p1 s11, $0x3  }
0x25: {  	s16 =	sand.u32 @!p1 $0x7, s11;
	s15 =	sadd.s32 @!p1 s4, s15;
	s14 =	sshrl.u32 @!p1 s14, $0x2  }
0x26: {  	[tilespmem:s14], [sflag:$0x2] =	stream.linear.gather @!p1 [hbm4b:s15+s16], $0x50, $0x38;
	[tilespmem:$0x50A0] =	vst v63  }
0x27: {  	p1 =	sge.u32 s31, s8  }
.Ltmp2:
0x28: {  	_ = 	snop;
	(pc) =	sbr.rel @p1 .LBB2_7-.Ltmp2, $1  }
0x29: {  	_ =	sdelay $0x3  }
0x2a: {  	s14 =	simm.s32 $0x1  }
0x2b: {  	s14 =	simm.s32 @!p0 $0x0  }
0x2c: {  	s15 =	smul.u32 $0x140, s14  }
0x2d: {  	_ =	swait.ge [sflag:s7], $0x50  }
0x2e: {  	[sflag:s7] =	ssyncset.done $0x0;
	s16 =	sshrl.u32 s15, $0x2  }
0x2f: {  	[sflag:s7] =	ssyncadd.s32 $0xFFFFFFB0;
	s15 =	sadd.s32 $0x0, s16  }
0x30: {  	v0 =	vld.msk [tilespmem:s15+$0x0 ss:$0x1], $0xffff;
	_ =	sdelay $0x4  }
0x31: {  	vm2 =	vgt.s32 v0, $0x0  }
0x32: {  	v0 =	vnsel vm2, $0x0, v0  }
0x33: {  	v0 =	vmin.u32 v0, $0x3FFF  }
0x34: {  	v0 =	vshll.u32 v0, $0x4  }
0x35: {  	s14 =	smul.u32 $0xA000, s14;
	_ =	sdelay $0x1  }
0x36: {  	s14 =	sshrl.u32 s14, $0x2  }
0x37: {  	s14 =	sor.u32 $0xA0, s14  }
0x38: {  	[tilespmem:s14], [sflag:$0x1] =	stream.indirect_vreg.gather [hbm:s5], $0x80, v0, vm0, $0x38;
	[tilespmem:$0x50A0] =	vst v63  }
0x39: {  	s17 =	sadd.s32 $0x10, s16;
	s15 =	sadd.s32 $0x400, s14  }
0x3a: {  	[tilespmem:s15], [sflag:$0x1] =	stream.indirect_vreg.gather [hbm:s5], $0x80, v0, vm1, $0x38;
	[tilespmem:$0x50A0] =	vst v63  }
0x3b: {  	s18 =	simm.s32 $0x80;
	v0 =	vld.msk [tilespmem:s17+$0x0 ss:$0x1], $0xffff;
	s17 =	smov.u32 s14  }
.LBB2_3:
0x3c: {  	p1 =	sne.s32 s18, $0x100;
	_ =	sdelay $0x4  }
0x3d: {  	vm2 =	vgt.s32 v0, $0x0  }
0x3e: {  	v0 =	vnsel vm2, $0x0, v0  }
0x3f: {  	v0 =	vmin.u32 v0, $0x3FFF  }
0x40: {  	v0 =	vshll.u32 v0, $0x4;
	_ =	sdelay $0x3  }
.Ltmp3:
0x41: {  	s19 =	sshra.s32 s18, $0x2;
	s17 =	sadd.s32 $0x800, s17;
	(pc) =	sbr.rel @p1 .LBB2_3-.Ltmp3, $4  }
0x42: {  	[tilespmem:s17], [sflag:$0x1] =	stream.indirect_vreg.gather [hbm:s5], $0x80, v0, vm0, $0x38;
	[tilespmem:$0x50A0] =	vst v63  }
0x43: {  	s19 =	sadd.s32 s19, s16;
	s20 =	sadd.s32 $0x400, s17  }
0x44: {  	[tilespmem:s20], [sflag:$0x1] =	stream.indirect_vreg.gather [hbm:s5], $0x80, v0, vm1, $0x38;
	[tilespmem:$0x50A0] =	vst v63  }
0x45: {  	s18 =	sadd.s32 $0x40, s18;
	v0 =	vld.msk [tilespmem:s19+$0x0 ss:$0x1], $0xffff  }
0x46: {  	_ =	sdelay $0x3  }
0x47: {  	vm2 =	vgt.s32 v0, $0x0  }
0x48: {  	v0 =	vnsel vm2, $0x0, v0  }
0x49: {  	v0 =	vmin.u32 v0, $0x3FFF  }
0x4a: {  	v0 =	vshll.u32 v0, $0x4;
	_ =	sdelay $0x3  }
0x4b: {  	s16 =	sadd.s32 $0x800, s17  }
0x4c: {  	[tilespmem:s16], [sflag:$0x1] =	stream.indirect_vreg.gather [hbm:s5], $0x80, v0, vm0, $0x38;
	[tilespmem:$0x50A0] =	vst v63  }
0x4d: {  	s16 =	sadd.s32 $0x400, s16  }
0x4e: {  	[tilespmem:s16], [sflag:$0x1] =	stream.indirect_vreg.gather [hbm:s5], $0x80, v0, vm1, $0x38;
	[tilespmem:$0x50A0] =	vst v63  }
0x4f: {  	s13 =	sshll.u32 s13, $0x4;
	_ =	swait.ge [sflag:s6], $0x2800  }
0x50: {  	s13 =	sadd.s32 s13, s9;
	[sflag:s6] =	ssyncset.done $0x0  }
0x51: {  	s17 =	sadd.s32 $0x0, s13;
	s16 =	simm.s32 $0x80;
	[sflag:s6] =	ssyncadd.s32 $0xFFFFD800  }
.LBB2_5:
0x52: {  	[hbm:s17] =	stream.linear.scatter [tilespmem:s14], [sflag:$0x3], $0x400, $0x38;
	[tilespmem:$0x50A0] =	vst v63  }
0x53: {  	s17 =	smov.u32 s16;
	s14 =	smov.u32 s15;
	p1 =	sne.s32 s16, $0x480  }
.Ltmp4:
0x54: {  	s16 =	sadd.s32 $0x80, s16;
	(pc) =	sbr.rel @p1 .LBB2_5-.Ltmp4, $2  }
0x55: {  	_ =	sdelay $0x2  }
0x56: {  	s15 =	sadd.s32 $0x400, s15;
	s17 =	sadd.s32 s17, s13  }
.Ltmp5:
0x57: {  	_ = 	snop;
	(pc) =	sbr.rel .LBB2_6-.Ltmp5, $1  }
0x58: {  	_ =	sdelay $0x3  }
.LBB2_8:
0x59: {  	_ =	sfence.sel $0x180000  }
0x5a: {  	s2 =	simm.s32 $0x2;
	[bflag:$0x0] =	sbarrier.arrive $0xFFFF  }
0x5b: {  	s30 =	simm.s32 $0x3;
	[sflag:s2] =	ssyncpa.u1 $0x1  }
0x5c: {  	s31 =	simm.s32 $0x1;
	[sflag:s30] =	ssyncpa.u1 $0x1  }
0x5d: {  	[sflag:s31] =	ssyncpa.u1 $0x1  }
0x5e: {  	p0 =	sne.s32 s0, $0x0;
	_ =	strace $0x90000047  }
0x5f: {  	s0 =	sadd.s32 @!p0 $0x100000, s1;
	[bflag:$0x2] =	sbarrier.arrive $0xFFFF  }
0x60: {  	[sflag:s0] =	ssyncadd.tile.s32 @!p0 $0x1;
	_ =	shalt  }
.Lfunc_end2:
_tile_overlayer_lowered:
.L_overlay_start_2:
0x61: {  	(tag) =	ssettag $0x2  }
0x62: {  	s0 =	rddreg [dreg:$0x0];
	s2 =	stileid.u32  }
0x63: {  	s1 =	rddreg [dreg:$0x1];
	p0 =	sne.s32 s2, $0x0  }
0x64: {  	s3 =	rddreg [dreg:$0x2];
	[bflag:$0x3] =	sbarrier.arrive $0xFFFF;
	s2 =	simm.s32 @!p0 $0x1C01  }
0x65: {  	[timem:s3], [sflag:s2] =	dma.local @!p0 [hbm:s0], s1  }
0x66: {  	s0 =	simm.s32 @!p0 $0x1  }
0x67: {  	_ =	swait.ge @!p0 [sflag:s0], s1  }
0x68: {  	s1 =	ssub.s32 @!p0 $0x0, s1;
	[sflag:s0] =	ssyncset.done @!p0 $0x0  }
0x69: {  	[sflag:s0] =	ssyncadd.s32 @!p0 s1  }
0x6a: {  	[bflag:$0x3] =	sbarrier.arrive $0xFFFF  }
0x6b: {  	_ =	shalt  }

</sc_bundles>
